<compile_context>
chip_gen: v7x
topology: tpu7x:2x2x1
jax: 0.10.2.dev20260603
libtpu: 0.0.44.dev20260713+nightly
codegen_flags: <defaults>
</compile_context>

<pallas_src>
import functools

import jax
import jax.numpy as jnp
from jax import lax
from jax.experimental import pallas as pl
from jax.experimental.pallas import tpu as pltpu
from jax.experimental.pallas import tpu_sc as plsc

_B = 8
_R = 1024
_C = 512
_D = 64
_NROWS = _B * 4


def _sc_gather(table, idx1, idx2):
    mesh = plsc.VectorSubcoreMesh(
        core_axis_name="c", subcore_axis_name="s", num_cores=1
    )

    @functools.partial(
        pl.kernel,
        mesh=mesh,
        compiler_params=pltpu.CompilerParams(needs_layout_passes=False),
        out_type=jax.ShapeDtypeStruct((_NROWS * 128,), jnp.float32),
        scratch_types=[
            pltpu.VMEM((2, 2), jnp.int32),
            pltpu.VMEM((32,), jnp.int32),
            pltpu.VMEM((2, _D, 128), jnp.float32),
            pltpu.VMEM((256,), jnp.float32),
            pltpu.SemaphoreType.DMA,
            pltpu.SemaphoreType.DMA,
        ],
    )
    def k(table_hbm, i1_hbm, i2_hbm, out_hbm, i1_v, i2_v, rows_v, out_v, s1, s2):
        t = lax.axis_index("s")
        cp1 = pltpu.async_copy(i1_hbm, i1_v, s1)
        cp2 = pltpu.async_copy(i2_hbm, i2_v.at[pl.ds(0, 2)], s2)
        cp1.wait()
        cp2.wait()
        copies = []
        coffs = []
        for h in range(2):
            combo = t * 2 + h
            iv = jnp.broadcast_to((combo >> 1) & 1, (16,))
            jv = jnp.broadcast_to(combo & 1, (16,))
            r_s = plsc.load_gather(i1_v, [iv, jv])[0]
            c_s = i2_v[pl.ds(h, 16)][0]
            base = ((combo >> 2) * _R + r_s) * _D
            ctile = (c_s >> 7) * 128
            copies.append(
                pltpu.async_copy(
                    table_hbm.at[pl.ds(base, _D), pl.ds(ctile, 128)],
                    rows_v.at[h],
                    s1 if h == 0 else s2,
                )
            )
            coffs.append(c_s & 127)
        lane = lax.broadcasted_iota(jnp.int32, (16,), 0)
        for h in range(2):
            copies[h].wait()
            coff = jnp.broadcast_to(coffs[h], (16,))
            for kk in range(4):
                out_v[pl.ds(h * 128 + kk * 16, 16)] = plsc.load_gather(
                    rows_v, [jnp.broadcast_to(h, (16,)), kk * 16 + lane, coff]
                )
        pltpu.sync_copy(out_v, out_hbm.at[pl.ds(t * 256, 256)])

    return k(table, idx1, idx2)


def kernel(x, index1, index2):
    table = x.transpose(0, 1, 3, 2).reshape(_B * _R * _D, _C)
    out = _sc_gather(table, index1, index2)
    return out.reshape(_NROWS, 128)[:, :_D].reshape(_B, 2, 2, _D)

# --- scband reference (transcript-rebuilt; emitter-appended) ---
"""Pipeline reference for scband-index-tensor-multi-input-contiguous-center-86492051407096 (READ-ONLY COPY).

The authoritative reference and input builder live on the scoring server;
editing this copy changes nothing except your own understanding.
"""

import jax, jax.numpy as jnp
import numpy as np


def setup_inputs(seed: int = 0) -> dict:
    key = jax.random.key(seed)
    k1, k2, k3 = jax.random.split(key, 3)
    x = jax.random.normal(k1, (8, 1024, 512, 64), dtype=jnp.float32)
    index1 = jax.random.randint(k2, (2, 2), 0, 1024, dtype=jnp.int32)
    index2 = jax.random.randint(k3, (2,), 0, 512, dtype=jnp.int32)
    return {"x": x, "index1": index1, "index2": index2}


def reference(x, index1, index2):
    # torch.ops.aten.index(x, (None, index1, index2, None))
    # Advanced indices at dims 1 and 2 are contiguous, so the broadcast
    # index shape [2, 2] is inserted in-place: result [B, 2, 2, D].
    # index2 [2] broadcasts against index1 [2, 2].
    return x[:, index1, index2, :]

if __name__ == "__main__":
    import jax
    _d = setup_inputs()
    print(jax.jit(kernel)(*tuple(_d.values())))

</pallas_src>

<mosaic_0001>
#map = affine_map<(d0, d1) -> (0, 0)>
#map1 = affine_map<(d0, d1) -> (0)>
module attributes {stable_mosaic.version = 14 : i64} {
  func.func @k(%arg0: i32, %arg1: i32, %arg2: memref<524288x512xf32, #tpu.memory_space<hbm>>, %arg3: memref<2x2xi32, #tpu.memory_space<hbm>>, %arg4: memref<2xi32, #tpu.memory_space<hbm>>, %arg5: memref<4096xf32, #tpu.memory_space<hbm>>, %arg6: memref<2x2xi32, #tpu.memory_space<vmem>>, %arg7: memref<32xi32, #tpu.memory_space<vmem>>, %arg8: memref<2x64x128xf32, #tpu.memory_space<vmem>>, %arg9: memref<256xf32, #tpu.memory_space<vmem>>, %arg10: memref<!tpu.dma_semaphore, #tpu.memory_space<semaphore_mem>>, %arg11: memref<!tpu.dma_semaphore, #tpu.memory_space<semaphore_mem>>) attributes {dimension_semantics = [#tpu.dimension_semantics<core_parallel>, #tpu.dimension_semantics<subcore_parallel>], iteration_bounds = array<i64: 1, 16>, scalar_prefetch = 0 : i64, scratch_operands = 6 : i64, tpu.core_type = #tpu.core_type<sc_vector_subcore>, window_params = [{transform_indices = #map}, {transform_indices = #map}, {transform_indices = #map1}, {transform_indices = #map1}]} {
    tpu.enqueue_dma source(%arg3 : memref<2x2xi32, #tpu.memory_space<hbm>>) target(%arg6 : memref<2x2xi32, #tpu.memory_space<vmem>>) target_semaphore(%arg10 : memref<!tpu.dma_semaphore, #tpu.memory_space<semaphore_mem>>)
    %dma_start3A = arith.constant 0 : i32
    %dma_start3A_0 = tpu.memref_slice %arg7[%dma_start3A] : memref<32xi32, #tpu.memory_space<vmem>> -> memref<2xi32, #tpu.memory_space<vmem>>
    %dma_start3A_1 = arith.constant 0 : i32
    %dma_start3A_2 = tpu.memref_slice %arg7[%dma_start3A_1] : memref<32xi32, #tpu.memory_space<vmem>> -> memref<2xi32, #tpu.memory_space<vmem>>
    tpu.enqueue_dma source(%arg4 : memref<2xi32, #tpu.memory_space<hbm>>) target(%dma_start3A_2 : memref<2xi32, #tpu.memory_space<vmem>>) target_semaphore(%arg11 : memref<!tpu.dma_semaphore, #tpu.memory_space<semaphore_mem>>)
    tpu.wait_dma2 semaphore(%arg10 : memref<!tpu.dma_semaphore, #tpu.memory_space<semaphore_mem>>) src(%arg3 : memref<2x2xi32, #tpu.memory_space<hbm>>) dst(%arg6 : memref<2x2xi32, #tpu.memory_space<vmem>>)
    %dma_wait3A = arith.constant 0 : i32
    %dma_wait3A_3 = tpu.memref_slice %arg7[%dma_wait3A] : memref<32xi32, #tpu.memory_space<vmem>> -> memref<2xi32, #tpu.memory_space<vmem>>
    %dma_wait3A_4 = arith.constant 0 : i32
    %dma_wait3A_5 = tpu.memref_slice %arg7[%dma_wait3A_4] : memref<32xi32, #tpu.memory_space<vmem>> -> memref<2xi32, #tpu.memory_space<vmem>>
    tpu.wait_dma2 semaphore(%arg11 : memref<!tpu.dma_semaphore, #tpu.memory_space<semaphore_mem>>) src(%arg4 : memref<2xi32, #tpu.memory_space<hbm>>) dst(%dma_wait3A_5 : memref<2xi32, #tpu.memory_space<vmem>>)
    %mul3A = arith.constant 2 : i32
    %mul3A_6 = arith.muli %arg1, %mul3A : i32
    %add3A = arith.constant 0 : i32
    %add3A_7 = arith.addi %mul3A_6, %add3A : i32
    %shift_right_arithmetic3A = arith.constant 1 : i32
    %shift_right_arithmetic3A_8 = arith.shrsi %add3A_7, %shift_right_arithmetic3A : i32
    %and3A = arith.constant 1 : i32
    %and3A_9 = arith.andi %shift_right_arithmetic3A_8, %and3A : i32
    %broadcast_in_dim3A = vector.broadcast %and3A_9 : i32 to vector<16xi32>
    %and3A_10 = arith.constant 1 : i32
    %and3A_11 = arith.andi %add3A_7, %and3A_10 : i32
    %broadcast_in_dim3A_12 = vector.broadcast %and3A_11 : i32 to vector<16xi32>
    %gather3A = tpu.vector_load_idx %arg6[%broadcast_in_dim3A, %broadcast_in_dim3A_12] : memref<2x2xi32, #tpu.memory_space<vmem>>[vector<16xi32>, vector<16xi32>], vector<16xi32>,
    %slice3A = vector.extract_strided_slice %gather3A {offsets = [0], sizes = [1], strides = [1]} : vector<16xi32> to vector<1xi32>
    %squeeze3A = vector.extract %slice3A[0] : i32 from vector<1xi32>
    %get3A = arith.constant 0 : index
    %get3A_13 = tpu.vector_load %arg7[%get3A] {strides = array<i32>} : memref<32xi32, #tpu.memory_space<vmem>>, vector<16xi32>,
    %slice3A_14 = vector.extract_strided_slice %get3A_13 {offsets = [0], sizes = [1], strides = [1]} : vector<16xi32> to vector<1xi32>
    %squeeze3A_15 = vector.extract %slice3A_14[0] : i32 from vector<1xi32>
    %shift_right_arithmetic3A_16 = arith.constant 2 : i32
    %shift_right_arithmetic3A_17 = arith.shrsi %add3A_7, %shift_right_arithmetic3A_16 : i32
    %mul3A_18 = arith.constant 1024 : i32
    %mul3A_19 = arith.muli %shift_right_arithmetic3A_17, %mul3A_18 : i32
    %add3A_20 = arith.addi %mul3A_19, %squeeze3A : i32
    %mul3A_21 = arith.constant 64 : i32
    %mul3A_22 = arith.muli %add3A_20, %mul3A_21 : i32
    %shift_right_arithmetic3A_23 = arith.constant 7 : i32
    %shift_right_arithmetic3A_24 = arith.shrsi %squeeze3A_15, %shift_right_arithmetic3A_23 : i32
    %mul3A_25 = arith.constant 128 : i32
    %mul3A_26 = arith.muli %shift_right_arithmetic3A_24, %mul3A_25 : i32
    %dma_start3A_27 = arith.constant 0 : i32
    %dma_start3A_28 = arith.constant 0 : i32
    %dma_start3A_29 = arith.constant 0 : i32
    %dma_start3A_30 = tpu.memref_slice %arg8[%dma_start3A_27, %dma_start3A_28, %dma_start3A_29] : memref<2x64x128xf32, #tpu.memory_space<vmem>> -> memref<1x64x128xf32, #tpu.memory_space<vmem>>
    %dma_start3A_31 = tpu.memref_squeeze %dma_start3A_30 : memref<1x64x128xf32, #tpu.memory_space<vmem>> -> memref<64x128xf32, #tpu.memory_space<vmem>>
    %dma_start3A_32 = tpu.memref_slice %arg2[%mul3A_22, %mul3A_26] : memref<524288x512xf32, #tpu.memory_space<hbm>> -> memref<64x128xf32, #tpu.memory_space<hbm>>
    %dma_start3A_33 = arith.constant 0 : i32
    %dma_start3A_34 = arith.constant 0 : i32
    %dma_start3A_35 = tpu.memref_slice %arg8[%dma_start3A_27, %dma_start3A_33, %dma_start3A_34] : memref<2x64x128xf32, #tpu.memory_space<vmem>> -> memref<1x64x128xf32, #tpu.memory_space<vmem>>
    %dma_start3A_36 = tpu.memref_squeeze %dma_start3A_35 : memref<1x64x128xf32, #tpu.memory_space<vmem>> -> memref<64x128xf32, #tpu.memory_space<vmem>>
    %dma_start3A_37 = tpu.memref_slice %arg2[%mul3A_22, %mul3A_26] : memref<524288x512xf32, #tpu.memory_space<hbm>> -> memref<64x128xf32, #tpu.memory_space<hbm>>
    tpu.enqueue_dma source(%dma_start3A_37 : memref<64x128xf32, #tpu.memory_space<hbm>>) target(%dma_start3A_36 : memref<64x128xf32, #tpu.memory_space<vmem>>) target_semaphore(%arg10 : memref<!tpu.dma_semaphore, #tpu.memory_space<semaphore_mem>>)
    %and3A_38 = arith.constant 127 : i32
    %and3A_39 = arith.andi %squeeze3A_15, %and3A_38 : i32
    %mul3A_40 = arith.constant 2 : i32
    %mul3A_41 = arith.muli %arg1, %mul3A_40 : i32
    %add3A_42 = arith.constant 1 : i32
    %add3A_43 = arith.addi %mul3A_41, %add3A_42 : i32
    %shift_right_arithmetic3A_44 = arith.constant 1 : i32
    %shift_right_arithmetic3A_45 = arith.shrsi %add3A_43, %shift_right_arithmetic3A_44 : i32
    %and3A_46 = arith.constant 1 : i32
    %and3A_47 = arith.andi %shift_right_arithmetic3A_45, %and3A_46 : i32
    %broadcast_in_dim3A_48 = vector.broadcast %and3A_47 : i32 to vector<16xi32>
    %and3A_49 = arith.constant 1 : i32
    %and3A_50 = arith.andi %add3A_43, %and3A_49 : i32
    %broadcast_in_dim3A_51 = vector.broadcast %and3A_50 : i32 to vector<16xi32>
    %gather3A_52 = tpu.vector_load_idx %arg6[%broadcast_in_dim3A_48, %broadcast_in_dim3A_51] : memref<2x2xi32, #tpu.memory_space<vmem>>[vector<16xi32>, vector<16xi32>], vector<16xi32>,
    %slice3A_53 = vector.extract_strided_slice %gather3A_52 {offsets = [0], sizes = [1], strides = [1]} : vector<16xi32> to vector<1xi32>
    %squeeze3A_54 = vector.extract %slice3A_53[0] : i32 from vector<1xi32>
    %get3A_55 = arith.constant 1 : index
    %get3A_56 = tpu.vector_load %arg7[%get3A_55] {strides = array<i32>} : memref<32xi32, #tpu.memory_space<vmem>>, vector<16xi32>,
    %slice3A_57 = vector.extract_strided_slice %get3A_56 {offsets = [0], sizes = [1], strides = [1]} : vector<16xi32> to vector<1xi32>
    %squeeze3A_58 = vector.extract %slice3A_57[0] : i32 from vector<1xi32>
    %shift_right_arithmetic3A_59 = arith.constant 2 : i32
    %shift_right_arithmetic3A_60 = arith.shrsi %add3A_43, %shift_right_arithmetic3A_59 : i32
    %mul3A_61 = arith.constant 1024 : i32
    %mul3A_62 = arith.muli %shift_right_arithmetic3A_60, %mul3A_61 : i32
    %add3A_63 = arith.addi %mul3A_62, %squeeze3A_54 : i32
    %mul3A_64 = arith.constant 64 : i32
    %mul3A_65 = arith.muli %add3A_63, %mul3A_64 : i32
    %shift_right_arithmetic3A_66 = arith.constant 7 : i32
    %shift_right_arithmetic3A_67 = arith.shrsi %squeeze3A_58, %shift_right_arithmetic3A_66 : i32
    %mul3A_68 = arith.constant 128 : i32
    %mul3A_69 = arith.muli %shift_right_arithmetic3A_67, %mul3A_68 : i32
    %dma_start3A_70 = arith.constant 1 : i32
    %dma_start3A_71 = arith.constant 0 : i32
    %dma_start3A_72 = arith.constant 0 : i32
    %dma_start3A_73 = tpu.memref_slice %arg8[%dma_start3A_70, %dma_start3A_71, %dma_start3A_72] : memref<2x64x128xf32, #tpu.memory_space<vmem>> -> memref<1x64x128xf32, #tpu.memory_space<vmem>>
    %dma_start3A_74 = tpu.memref_squeeze %dma_start3A_73 : memref<1x64x128xf32, #tpu.memory_space<vmem>> -> memref<64x128xf32, #tpu.memory_space<vmem>>
    %dma_start3A_75 = tpu.memref_slice %arg2[%mul3A_65, %mul3A_69] : memref<524288x512xf32, #tpu.memory_space<hbm>> -> memref<64x128xf32, #tpu.memory_space<hbm>>
    %dma_start3A_76 = arith.constant 0 : i32
    %dma_start3A_77 = arith.constant 0 : i32
    %dma_start3A_78 = tpu.memref_slice %arg8[%dma_start3A_70, %dma_start3A_76, %dma_start3A_77] : memref<2x64x128xf32, #tpu.memory_space<vmem>> -> memref<1x64x128xf32, #tpu.memory_space<vmem>>
    %dma_start3A_79 = tpu.memref_squeeze %dma_start3A_78 : memref<1x64x128xf32, #tpu.memory_space<vmem>> -> memref<64x128xf32, #tpu.memory_space<vmem>>
    %dma_start3A_80 = tpu.memref_slice %arg2[%mul3A_65, %mul3A_69] : memref<524288x512xf32, #tpu.memory_space<hbm>> -> memref<64x128xf32, #tpu.memory_space<hbm>>
    tpu.enqueue_dma source(%dma_start3A_80 : memref<64x128xf32, #tpu.memory_space<hbm>>) target(%dma_start3A_79 : memref<64x128xf32, #tpu.memory_space<vmem>>) target_semaphore(%arg11 : memref<!tpu.dma_semaphore, #tpu.memory_space<semaphore_mem>>)
    %and3A_81 = arith.constant 127 : i32
    %and3A_82 = arith.andi %squeeze3A_58, %and3A_81 : i32
    %iota3A = tpu.iota {dimensions = array<i32: 0>} : vector<16xi32>
    %dma_wait3A_83 = arith.constant 0 : i32
    %dma_wait3A_84 = arith.constant 0 : i32
    %dma_wait3A_85 = arith.constant 0 : i32
    %dma_wait3A_86 = tpu.memref_slice %arg8[%dma_wait3A_83, %dma_wait3A_84, %dma_wait3A_85] : memref<2x64x128xf32, #tpu.memory_space<vmem>> -> memref<1x64x128xf32, #tpu.memory_space<vmem>>
    %dma_wait3A_87 = tpu.memref_squeeze %dma_wait3A_86 : memref<1x64x128xf32, #tpu.memory_space<vmem>> -> memref<64x128xf32, #tpu.memory_space<vmem>>
    %dma_wait3A_88 = tpu.memref_slice %arg2[%mul3A_22, %mul3A_26] : memref<524288x512xf32, #tpu.memory_space<hbm>> -> memref<64x128xf32, #tpu.memory_space<hbm>>
    %dma_wait3A_89 = arith.constant 0 : i32
    %dma_wait3A_90 = arith.constant 0 : i32
    %dma_wait3A_91 = tpu.memref_slice %arg8[%dma_wait3A_83, %dma_wait3A_89, %dma_wait3A_90] : memref<2x64x128xf32, #tpu.memory_space<vmem>> -> memref<1x64x128xf32, #tpu.memory_space<vmem>>
    %dma_wait3A_92 = tpu.memref_squeeze %dma_wait3A_91 : memref<1x64x128xf32, #tpu.memory_space<vmem>> -> memref<64x128xf32, #tpu.memory_space<vmem>>
    %dma_wait3A_93 = tpu.memref_slice %arg2[%mul3A_22, %mul3A_26] : memref<524288x512xf32, #tpu.memory_space<hbm>> -> memref<64x128xf32, #tpu.memory_space<hbm>>
    tpu.wait_dma2 semaphore(%arg10 : memref<!tpu.dma_semaphore, #tpu.memory_space<semaphore_mem>>) src(%dma_wait3A_93 : memref<64x128xf32, #tpu.memory_space<hbm>>) dst(%dma_wait3A_92 : memref<64x128xf32, #tpu.memory_space<vmem>>)
    %broadcast_in_dim3A_94 = vector.broadcast %and3A_39 : i32 to vector<16xi32>
    %broadcast_in_dim3A_95 = arith.constant 0 : i32
    %broadcast_in_dim3A_96 = vector.broadcast %broadcast_in_dim3A_95 : i32 to vector<16xi32>
    %add3A_97 = arith.constant 0 : i32
    %add3A_98 = vector.broadcast %add3A_97 : i32 to vector<16xi32>
    %add3A_99 = arith.addi %add3A_98, %iota3A : vector<16xi32>
    %gather3A_100 = tpu.vector_load_idx %arg8[%broadcast_in_dim3A_96, %add3A_99, %broadcast_in_dim3A_94] : memref<2x64x128xf32, #tpu.memory_space<vmem>>[vector<16xi32>, vector<16xi32>, vector<16xi32>], vector<16xf32>,
    %swap3A = arith.constant 0 : index
    %swap3A_101 = tpu.vector_load %arg9[%swap3A] {strides = array<i32>} : memref<256xf32, #tpu.memory_space<vmem>>, vector<16xf32>,
    tpu.vector_store %arg9[%swap3A], %gather3A_100 {strides = array<i32>} : memref<256xf32, #tpu.memory_space<vmem>>, vector<16xf32>,
    %broadcast_in_dim3A_102 = arith.constant 0 : i32
    %broadcast_in_dim3A_103 = vector.broadcast %broadcast_in_dim3A_102 : i32 to vector<16xi32>
    %add3A_104 = arith.constant 16 : i32
    %add3A_105 = vector.broadcast %add3A_104 : i32 to vector<16xi32>
    %add3A_106 = arith.addi %add3A_105, %iota3A : vector<16xi32>
    %gather3A_107 = tpu.vector_load_idx %arg8[%broadcast_in_dim3A_103, %add3A_106, %broadcast_in_dim3A_94] : memref<2x64x128xf32, #tpu.memory_space<vmem>>[vector<16xi32>, vector<16xi32>, vector<16xi32>], vector<16xf32>,
    %swap3A_108 = arith.constant 16 : index
    %swap3A_109 = tpu.vector_load %arg9[%swap3A_108] {strides = array<i32>} : memref<256xf32, #tpu.memory_space<vmem>>, vector<16xf32>,
    tpu.vector_store %arg9[%swap3A_108], %gather3A_107 {strides = array<i32>} : memref<256xf32, #tpu.memory_space<vmem>>, vector<16xf32>,
    %broadcast_in_dim3A_110 = arith.constant 0 : i32
    %broadcast_in_dim3A_111 = vector.broadcast %broadcast_in_dim3A_110 : i32 to vector<16xi32>
    %add3A_112 = arith.constant 32 : i32
    %add3A_113 = vector.broadcast %add3A_112 : i32 to vector<16xi32>
    %add3A_114 = arith.addi %add3A_113, %iota3A : vector<16xi32>
    %gather3A_115 = tpu.vector_load_idx %arg8[%broadcast_in_dim3A_111, %add3A_114, %broadcast_in_dim3A_94] : memref<2x64x128xf32, #tpu.memory_space<vmem>>[vector<16xi32>, vector<16xi32>, vector<16xi32>], vector<16xf32>,
    %swap3A_116 = arith.constant 32 : index
    %swap3A_117 = tpu.vector_load %arg9[%swap3A_116] {strides = array<i32>} : memref<256xf32, #tpu.memory_space<vmem>>, vector<16xf32>,
    tpu.vector_store %arg9[%swap3A_116], %gather3A_115 {strides = array<i32>} : memref<256xf32, #tpu.memory_space<vmem>>, vector<16xf32>,
    %broadcast_in_dim3A_118 = arith.constant 0 : i32
    %broadcast_in_dim3A_119 = vector.broadcast %broadcast_in_dim3A_118 : i32 to vector<16xi32>
    %add3A_120 = arith.constant 48 : i32
    %add3A_121 = vector.broadcast %add3A_120 : i32 to vector<16xi32>
    %add3A_122 = arith.addi %add3A_121, %iota3A : vector<16xi32>
    %gather3A_123 = tpu.vector_load_idx %arg8[%broadcast_in_dim3A_119, %add3A_122, %broadcast_in_dim3A_94] : memref<2x64x128xf32, #tpu.memory_space<vmem>>[vector<16xi32>, vector<16xi32>, vector<16xi32>], vector<16xf32>,
    %swap3A_124 = arith.constant 48 : index
    %swap3A_125 = tpu.vector_load %arg9[%swap3A_124] {strides = array<i32>} : memref<256xf32, #tpu.memory_space<vmem>>, vector<16xf32>,
    tpu.vector_store %arg9[%swap3A_124], %gather3A_123 {strides = array<i32>} : memref<256xf32, #tpu.memory_space<vmem>>, vector<16xf32>,
    %dma_wait3A_126 = arith.constant 1 : i32
    %dma_wait3A_127 = arith.constant 0 : i32
    %dma_wait3A_128 = arith.constant 0 : i32
    %dma_wait3A_129 = tpu.memref_slice %arg8[%dma_wait3A_126, %dma_wait3A_127, %dma_wait3A_128] : memref<2x64x128xf32, #tpu.memory_space<vmem>> -> memref<1x64x128xf32, #tpu.memory_space<vmem>>
    %dma_wait3A_130 = tpu.memref_squeeze %dma_wait3A_129 : memref<1x64x128xf32, #tpu.memory_space<vmem>> -> memref<64x128xf32, #tpu.memory_space<vmem>>
    %dma_wait3A_131 = tpu.memref_slice %arg2[%mul3A_65, %mul3A_69] : memref<524288x512xf32, #tpu.memory_space<hbm>> -> memref<64x128xf32, #tpu.memory_space<hbm>>
    %dma_wait3A_132 = arith.constant 0 : i32
    %dma_wait3A_133 = arith.constant 0 : i32
    %dma_wait3A_134 = tpu.memref_slice %arg8[%dma_wait3A_126, %dma_wait3A_132, %dma_wait3A_133] : memref<2x64x128xf32, #tpu.memory_space<vmem>> -> memref<1x64x128xf32, #tpu.memory_space<vmem>>
    %dma_wait3A_135 = tpu.memref_squeeze %dma_wait3A_134 : memref<1x64x128xf32, #tpu.memory_space<vmem>> -> memref<64x128xf32, #tpu.memory_space<vmem>>
    %dma_wait3A_136 = tpu.memref_slice %arg2[%mul3A_65, %mul3A_69] : memref<524288x512xf32, #tpu.memory_space<hbm>> -> memref<64x128xf32, #tpu.memory_space<hbm>>
    tpu.wait_dma2 semaphore(%arg11 : memref<!tpu.dma_semaphore, #tpu.memory_space<semaphore_mem>>) src(%dma_wait3A_136 : memref<64x128xf32, #tpu.memory_space<hbm>>) dst(%dma_wait3A_135 : memref<64x128xf32, #tpu.memory_space<vmem>>)
    %broadcast_in_dim3A_137 = vector.broadcast %and3A_82 : i32 to vector<16xi32>
    %broadcast_in_dim3A_138 = arith.constant 1 : i32
    %broadcast_in_dim3A_139 = vector.broadcast %broadcast_in_dim3A_138 : i32 to vector<16xi32>
    %add3A_140 = arith.constant 0 : i32
    %add3A_141 = vector.broadcast %add3A_140 : i32 to vector<16xi32>
    %add3A_142 = arith.addi %add3A_141, %iota3A : vector<16xi32>
    %gather3A_143 = tpu.vector_load_idx %arg8[%broadcast_in_dim3A_139, %add3A_142, %broadcast_in_dim3A_137] : memref<2x64x128xf32, #tpu.memory_space<vmem>>[vector<16xi32>, vector<16xi32>, vector<16xi32>], vector<16xf32>,
    %swap3A_144 = arith.constant 128 : index
    %swap3A_145 = tpu.vector_load %arg9[%swap3A_144] {strides = array<i32>} : memref<256xf32, #tpu.memory_space<vmem>>, vector<16xf32>,
    tpu.vector_store %arg9[%swap3A_144], %gather3A_143 {strides = array<i32>} : memref<256xf32, #tpu.memory_space<vmem>>, vector<16xf32>,
    %broadcast_in_dim3A_146 = arith.constant 1 : i32
    %broadcast_in_dim3A_147 = vector.broadcast %broadcast_in_dim3A_146 : i32 to vector<16xi32>
    %add3A_148 = arith.constant 16 : i32
    %add3A_149 = vector.broadcast %add3A_148 : i32 to vector<16xi32>
    %add3A_150 = arith.addi %add3A_149, %iota3A : vector<16xi32>
    %gather3A_151 = tpu.vector_load_idx %arg8[%broadcast_in_dim3A_147, %add3A_150, %broadcast_in_dim3A_137] : memref<2x64x128xf32, #tpu.memory_space<vmem>>[vector<16xi32>, vector<16xi32>, vector<16xi32>], vector<16xf32>,
    %swap3A_152 = arith.constant 144 : index
    %swap3A_153 = tpu.vector_load %arg9[%swap3A_152] {strides = array<i32>} : memref<256xf32, #tpu.memory_space<vmem>>, vector<16xf32>,
    tpu.vector_store %arg9[%swap3A_152], %gather3A_151 {strides = array<i32>} : memref<256xf32, #tpu.memory_space<vmem>>, vector<16xf32>,
    %broadcast_in_dim3A_154 = arith.constant 1 : i32
    %broadcast_in_dim3A_155 = vector.broadcast %broadcast_in_dim3A_154 : i32 to vector<16xi32>
    %add3A_156 = arith.constant 32 : i32
    %add3A_157 = vector.broadcast %add3A_156 : i32 to vector<16xi32>
    %add3A_158 = arith.addi %add3A_157, %iota3A : vector<16xi32>
    %gather3A_159 = tpu.vector_load_idx %arg8[%broadcast_in_dim3A_155, %add3A_158, %broadcast_in_dim3A_137] : memref<2x64x128xf32, #tpu.memory_space<vmem>>[vector<16xi32>, vector<16xi32>, vector<16xi32>], vector<16xf32>,
    %swap3A_160 = arith.constant 160 : index
    %swap3A_161 = tpu.vector_load %arg9[%swap3A_160] {strides = array<i32>} : memref<256xf32, #tpu.memory_space<vmem>>, vector<16xf32>,
    tpu.vector_store %arg9[%swap3A_160], %gather3A_159 {strides = array<i32>} : memref<256xf32, #tpu.memory_space<vmem>>, vector<16xf32>,
    %broadcast_in_dim3A_162 = arith.constant 1 : i32
    %broadcast_in_dim3A_163 = vector.broadcast %broadcast_in_dim3A_162 : i32 to vector<16xi32>
    %add3A_164 = arith.constant 48 : i32
    %add3A_165 = vector.broadcast %add3A_164 : i32 to vector<16xi32>
    %add3A_166 = arith.addi %add3A_165, %iota3A : vector<16xi32>
    %gather3A_167 = tpu.vector_load_idx %arg8[%broadcast_in_dim3A_163, %add3A_166, %broadcast_in_dim3A_137] : memref<2x64x128xf32, #tpu.memory_space<vmem>>[vector<16xi32>, vector<16xi32>, vector<16xi32>], vector<16xf32>,
    %swap3A_168 = arith.constant 176 : index
    %swap3A_169 = tpu.vector_load %arg9[%swap3A_168] {strides = array<i32>} : memref<256xf32, #tpu.memory_space<vmem>>, vector<16xf32>,
    tpu.vector_store %arg9[%swap3A_168], %gather3A_167 {strides = array<i32>} : memref<256xf32, #tpu.memory_space<vmem>>, vector<16xf32>,
    %mul3A_170 = arith.constant 256 : i32
    %mul3A_171 = arith.muli %arg1, %mul3A_170 : i32
    "tpu.region"() ({
      %run_scoped3A = tpu.sem_alloc : memref<!tpu.dma_semaphore, #tpu.memory_space<semaphore_mem>>
      %dma_start3A_172 = tpu.memref_slice %arg5[%mul3A_171] : memref<4096xf32, #tpu.memory_space<hbm>> -> memref<256xf32, #tpu.memory_space<hbm>>
      %dma_start3A_173 = tpu.memref_slice %arg5[%mul3A_171] : memref<4096xf32, #tpu.memory_space<hbm>> -> memref<256xf32, #tpu.memory_space<hbm>>
      tpu.enqueue_dma source(%arg9 : memref<256xf32, #tpu.memory_space<vmem>>) target(%dma_start3A_173 : memref<256xf32, #tpu.memory_space<hbm>>) target_semaphore(%run_scoped3A : memref<!tpu.dma_semaphore, #tpu.memory_space<semaphore_mem>>)
      %dma_wait3A_174 = tpu.memref_slice %arg5[%mul3A_171] : memref<4096xf32, #tpu.memory_space<hbm>> -> memref<256xf32, #tpu.memory_space<hbm>>
      %dma_wait3A_175 = tpu.memref_slice %arg5[%mul3A_171] : memref<4096xf32, #tpu.memory_space<hbm>> -> memref<256xf32, #tpu.memory_space<hbm>>
      tpu.wait_dma2 semaphore(%run_scoped3A : memref<!tpu.dma_semaphore, #tpu.memory_space<semaphore_mem>>) src(%arg9 : memref<256xf32, #tpu.memory_space<vmem>>) dst(%dma_wait3A_175 : memref<256xf32, #tpu.memory_space<hbm>>)
      tpu.yield
    }) : () -> ()
    return
  }
}

</mosaic_0001>

<sc_bundles>
// kernel: kernel.3.cloned.1.call-start
scs
__scs_entry_jumppad:
0x0: {  	(pc) =	sbr.rel $0x88, $3  }
0x1: {  	(tag) =	ssettag $0x0;
	lr =	simm.s32 $0x1  }
0x2: {  	[smem:$0x3F9E] =	sst lr;
	_ =	strace $0xD0000000  }
0x3: {  	_ = 	snop  }
0x4: {  	_ = 	snop  }
0x5: {  	_ = 	snop  }
0x6: {  	_ = 	snop  }
0x7: {  	_ = 	snop  }
__scs_overlays_trampoline_lowered:
0x8: {  	[smem:$0x3FAD] =	sst s0  }
0x9: {  	[smem:$0x3FAE] =	sst s1  }
0xa: {  	[smem:$0x3FAF] =	sst s2  }
0xb: {  	[smem:$0x3FB0] =	sst s3  }
0xc: {  	[smem:$0x3FB1] =	sst s4  }
0xd: {  	[smem:$0x3FB2] =	sst s5  }
0xe: {  	[smem:$0x3FB3] =	sst s6  }
0xf: {  	[smem:$0x3FB4] =	sst s7  }
0x10: {  	[smem:$0x3FB5] =	sst s8  }
0x11: {  	[smem:$0x3FB6] =	sst s9;
	s0 =	simm.s32 @!p0 $0x0  }
0x12: {  	s1 =	sld [smem:$0x3F9C];
	s0 =	simm.s32 @p0 $0x1  }
0x13: {  	[smem:$0x3FB7] =	sst s0;
	s0 =	simm.s32 @!p1 $0x0  }
0x14: {  	s2 =	sld [smem:$0x3F9B];
	s0 =	simm.s32 @p1 $0x1  }
0x15: {  	[smem:$0x3FB8] =	sst s0;
	s0 =	simm.s32 @!p2 $0x0  }
0x16: {  	s3 =	sld [smem:$0x3FDB];
	s0 =	simm.s32 @p2 $0x1  }
0x17: {  	s4 =	simm.s32 $0x1BF5;
	[smem:$0x3FBA] =	sst s0  }
0x18: {  	s0 =	sld [smem:$0x3F9D];
	_ =	swait.ge [sflag:s4], $0x0  }
0x19: {  	s7 =	sld [smem:$0x3F9E]  }
0x1a: {  	s8 =	sadd.s32 $0xFFFFE003, lr  }
0x1b: {  	s9 =	sadd.s32 $0xFFFFFEF7, lr;
	s5 =	simm.s32 $0xFFFFFFFF;
	p2 =	slt.u32 s8, $0xFFFFF086  }
0x1c: {  	p1 =	slt.u32 s9, $0xF7A;
	s5 =	simm.s32 @!p2 $0x0  }
0x1d: {  	s5 =	simm.s32 @p1 $0x1;
	p0 =	seq.s32 s7, s2  }
0x1e: {  	s7 =	smul.u32 @!p0 $0xF7A, s2;
	p2 =	seq.s32 @!p0 s5, $0x0  }
0x1f: {  	s9 =	smul.u32 $0xF7A, s1;
	s8 =	simm.s32 @!p0 $0x1BF5;
	p2 =	por !p2, p0  }
0x20: {  	[sflag:s8] =	ssyncset.s32 @!p0 $0xFFFFF086;
	s6 =	sadd.s32 @!p0 s3, s7;
	s7 =	simm.s32 @!p0 $0x108  }
0x21: {  	s3 =	sadd.s32 s3, s9;
	s6 =	sadd.s32 @!p0 $0x88, s6;
	s7 =	simm.s32 @p2 $0x1082  }
0x22: {  	[simem:s7], [sflag:s8] =	dma.local @!p0 [hbm:s6], $0xF7A  }
0x23: {  	s9 =	sor.u32 $0xD0000000, s2;
	s6 =	simm.s32 $0x108;
	_ =	swait.ge @!p0 [sflag:s8], $0x0  }
0x24: {  	s3 =	sadd.s32 $0x88, s3;
	s6 =	simm.s32 @!p1 $0x1082;
	[sflag:s4] =	ssyncset.s32 $0xFFFFF086  }
0x25: {  	[simem:s6], [sflag:s4] =	dma.local [hbm:s3], $0xF7A  }
0x26: {  	[smem:$0x3F9E] =	sst s1;
	(tag) =	ssettag s2;
	_ =	strace s9  }
0x27: {  	s1 =	sld [smem:$0x3FAE]  }
0x28: {  	s2 =	sld [smem:$0x3FAF]  }
0x29: {  	s4 =	sld [smem:$0x3FB1]  }
0x2a: {  	p0 =	seq.s32 s5, $0x0;
	s5 =	sld [smem:$0x3FB2]  }
0x2b: {  	s6 =	sld [smem:$0x3FB3]  }
0x2c: {  	s7 =	sld [smem:$0x3FB4]  }
0x2d: {  	s3 =	simm.s32 $0x108;
	s8 =	sld [smem:$0x3FB5]  }
0x2e: {  	s3 =	simm.s32 @!p0 $0x1082;
	s9 =	sld [smem:$0x3FB6]  }
0x2f: {  	lr =	sadd.s32 s0, s3;
	s0 =	sld [smem:$0x3FAD]  }
0x30: {  	s3 =	sld [smem:$0x3FB0]  }
0x31: {  	[smem:$0x3FB9] =	sst s10  }
0x32: {  	s10 =	sld [smem:$0x3FB7];
	_ =	sdelay $0x3  }
0x33: {  	p0 =	seq.s32 s10, $0x1;
	s10 =	sld [smem:$0x3FB9];
	_ =	sdelay $0x3  }
0x34: {  	[smem:$0x3FB9] =	sst s10  }
0x35: {  	s10 =	sld [smem:$0x3FB8];
	_ =	sdelay $0x3  }
0x36: {  	p1 =	seq.s32 s10, $0x1;
	s10 =	sld [smem:$0x3FB9];
	_ =	sdelay $0x3  }
0x37: {  	[smem:$0x3FB9] =	sst s10  }
0x38: {  	s10 =	sld [smem:$0x3FBA]  }
0x39: {  	_ = 	snop;
	(pc) =	sbr.ind lr, $3  }
0x3a: {  	_ = 	snop  }
0x3b: {  	_ = 	snop  }
0x3c: {  	p2 =	seq.s32 s10, $0x1;
	s10 =	sld [smem:$0x3FB9]  }
0x3d: {  	_ =	shalt  }
0x3e: {  	_ =	shalt  }
0x3f: {  	_ =	shalt  }
0x40: {  	_ =	shalt  }
0x41: {  	_ =	shalt  }
0x42: {  	_ =	shalt  }
0x43: {  	_ =	shalt  }
0x44: {  	_ =	shalt  }
0x45: {  	_ =	shalt  }
0x46: {  	_ =	shalt  }
0x47: {  	_ =	shalt  }
0x48: {  	_ =	shalt  }
0x49: {  	_ =	shalt  }
0x4a: {  	_ =	shalt  }
0x4b: {  	_ =	shalt  }
0x4c: {  	_ =	shalt  }
0x4d: {  	_ =	shalt  }
0x4e: {  	_ =	shalt  }
0x4f: {  	_ =	shalt  }
0x50: {  	_ =	shalt  }
0x51: {  	_ =	shalt  }
0x52: {  	_ =	shalt  }
0x53: {  	_ =	shalt  }
0x54: {  	_ =	shalt  }
0x55: {  	_ =	shalt  }
0x56: {  	_ =	shalt  }
0x57: {  	_ =	shalt  }
0x58: {  	_ =	shalt  }
0x59: {  	_ =	shalt  }
0x5a: {  	_ =	shalt  }
0x5b: {  	_ =	shalt  }
0x5c: {  	_ =	shalt  }
0x5d: {  	_ =	shalt  }
0x5e: {  	_ =	shalt  }
0x5f: {  	_ =	shalt  }
0x60: {  	_ =	shalt  }
0x61: {  	_ =	shalt  }
0x62: {  	_ =	shalt  }
0x63: {  	_ =	shalt  }
0x64: {  	_ =	shalt  }
0x65: {  	_ =	shalt  }
0x66: {  	_ =	shalt  }
0x67: {  	_ =	shalt  }
0x68: {  	_ =	shalt  }
0x69: {  	_ =	shalt  }
0x6a: {  	_ =	shalt  }
0x6b: {  	_ =	shalt  }
0x6c: {  	_ =	shalt  }
0x6d: {  	_ =	shalt  }
0x6e: {  	_ =	shalt  }
0x6f: {  	_ =	shalt  }
0x70: {  	_ =	shalt  }
0x71: {  	_ =	shalt  }
0x72: {  	_ =	shalt  }
0x73: {  	_ =	shalt  }
0x74: {  	_ =	shalt  }
0x75: {  	_ =	shalt  }
0x76: {  	_ =	shalt  }
0x77: {  	_ =	shalt  }
0x78: {  	_ =	shalt  }
0x79: {  	_ =	shalt  }
0x7a: {  	_ =	shalt  }
0x7b: {  	_ =	shalt  }
0x7c: {  	_ =	shalt  }
0x7d: {  	_ =	shalt  }
0x7e: {  	_ =	shalt  }
0x7f: {  	_ =	shalt  }
0x80: {  	_ =	shalt  }
0x81: {  	_ =	shalt  }
0x82: {  	_ =	shalt  }
0x83: {  	_ =	shalt  }
0x84: {  	_ =	shalt  }
0x85: {  	_ =	shalt  }
0x86: {  	_ =	shalt  }
0x87: {  	_ =	shalt  }
.Lfunc_end0:
.L_simem_size_0:
called_computation_lowered:
.L_overlay_start_0:
0x88: {  	s0 =	sld [smem:$0x3FD9]  }
0x89: {  	s1 =	sld [smem:$0x3FFE];
	_ =	sdelay $0x3  }
0x8a: {  	s0 =	sadd.s32 s1, s0  }
0x8b: {  	[smem:$0x3FC5] =	sst s0  }
0x8c: {  	_ = 	snop  }
0x8d: {  	s0 =	sld [smem:$0x3FC9]  }
0x8e: {  	s17 =	sld [smem:$0x3FC8]  }
0x8f: {  	s2 =	sld [smem:$0x3FC7]  }
0x90: {  	s3 =	sld [smem:$0x3FD0];
	(tm) =	ssettm $0x1  }
0x91: {  	s4 =	sld [smem:$0x3FFB];
	_ =	sdelay $0x3  }
0x92: {  	_ =	strace s4  }
0x93: {  	s4 =	sld [smem:$0x3FFC];
	_ =	sdelay $0x3  }
0x94: {  	_ =	strace s4  }
0x95: {  	s4 =	sld [smem:$0x3FFD];
	_ =	sdelay $0x3  }
0x96: {  	_ =	strace s4  }
0x97: {  	_ =	strace $0x8FFFFFFF  }
0x98: {  	s18 =	sld [smem:$0x3FDB];
	_ =	sdelay $0x1  }
0x99: {  	s5 =	simm.s32 $_scs_section_size  }
0x9a: {  	s6 =	simm.s32 $_size__tile_overlayer_lowered;
	s7 =	simm.s32 $_tile_overlayer_lowered  }
0x9b: {  	s21 =	simm.s32 $0x1BFF;
	s20 =	sshll.u32 s7, $0x1;
	s4 =	sadd.s32 s5, s18  }
0x9c: {  	s8 =	simm.s32 $0x0;
	s19 =	sshll.u32 s6, $0x1;
	s6 =	sadd.s32 s20, s4  }
0x9d: {  	[timem:s8], [sflag:s21] =	dma.local [hbm:s6], s19  }
0x9e: {  	_ =	swait.ge [sflag:s21], s19  }
0x9f: {  	s5 =	ssub.s32 $0x0, s19;
	[sflag:s21] =	ssyncset.done $0x0  }
0xa0: {  	[sflag:s21] =	ssyncadd.s32 s5;
	_ =	sdelay $0x1  }
0xa1: {  	s22 =	simm.s32 $0x1B8B  }
0xa2: {  	_ =	swait.ge [sflag:s22], $0x1  }
0xa3: {  	[sflag:s22] =	ssyncset.done $0x0  }
0xa4: {  	s23 =	simm.s32 $0x1B8E;
	[sflag:s22] =	ssyncadd.s32 $0xFFFFFFFF  }
0xa5: {  	s24 =	simm.s32 $execute0_lowered;
	[smem:$0x3FD2] =	sst s23  }
0xa6: {  	s5 =	sshll.u32 s24, $0x1;
	_ =	strace $0x80000046;
	[dreg:$0x1] =	wrdreg $0xFFFFFFFF  }
0xa7: {  	s25 =	simm.s32 $_size_execute0_lowered;
	s4 =	sadd.s32 s4, s5;
	[dreg:$0x0] =	wrdreg $0x0  }
0xa8: {  	s5 =	sshll.u32 s25, $0x1;
	[dreg:$0x2] =	wrdreg s4  }
0xa9: {  	[dreg:$0x3] =	wrdreg s5  }
0xaa: {  	[dreg:$0x4] =	wrdreg $0xC0  }
0xab: {  	_ =	task [dreg:s8], $0x5FFFF  }
0xac: {  	[dreg:$0x1] =	wrdreg $0xFFFFFFFF  }
0xad: {  	[dreg:$0x0] =	wrdreg $0x60  }
0xae: {  	[dreg:$0x2] =	wrdreg s0  }
0xaf: {  	[dreg:$0x3] =	wrdreg s17  }
0xb0: {  	[dreg:$0x4] =	wrdreg s2  }
0xb1: {  	[dreg:$0x5] =	wrdreg s3  }
0xb2: {  	[dreg:$0x6] =	wrdreg $0x9  }
0xb3: {  	_ =	task.clear_ibuf [dreg:s8], $0x7FFFF;
	_ =	strace $0x90000046  }
0xb4: {  	s26 =	simm.s32 $0x9;
	_ =	strace $0x80000048  }
0xb5: {  	_ =	swait.ge [sflag:s26], $0x1  }
0xb6: {  	[sflag:s26] =	ssyncadd.s32 $0xFFFFFFFF  }
0xb7: {  	_ =	strace $0x90000048  }
0xb8: {  	_ =	sfence  }
0xb9: {  	s28 =	sld [smem:$0x0];
	_ =	sdelay $0x1  }
0xba: {  	s29 =	srdreg.scid  }
0xbb: {  	s30 =	sshll.u32 s29, $0xD;
	s31 =	sshrl.u32 s29, $0x2  }
0xbc: {  	s1 =	sand.u32 $0x1, s29;
	s2 =	sand.u32 $0x4000, s30;
	s0 =	sadd.s32 s31, s28  }
0xbd: {  	s1 =	sor.u32 s2, s1;
	s0 =	sshll.u32 s0, $0x11  }
0xbe: {  	s0 =	sor.u32 s0, s1  }
0xbf: {  	s0 =	sadd.s32 $0x8F2B, s0  }
0xc0: {  	[sflag:s0] =	ssyncadd.remote.s32 $0x1  }
0xc1: {  	_ =	sfence.sel $0xFFFF  }
0xc2: {  	[dreg:$0x0] =	wrdreg $0xFFFFFFFF;
	(pc) =	sbr.abs _section_cstart, $3  }
0xc3: {  	[dreg:$0x1] =	wrdreg $0xFFFFFFFF  }
0xc4: {  	_ =	task.clear_ibuf [dreg:s8], $0x2FFFF;
	_ =	strace $0x9FFFFFFF  }
0xc5: {  	(tm) =	ssettm $0x7FFFFFFF  }
tec
execute0_lowered:
.L_overlay_start_1:
0x0: {  	(tag) =	ssettag $0x1  }
0x1: {  	s5 =	rddreg [dreg:$0x0]  }
0x2: {  	s1 =	rddreg [dreg:$0x1]  }
0x3: {  	s4 =	rddreg [dreg:$0x2]  }
0x4: {  	s3 =	rddreg [dreg:$0x3];
	s2 =	simm.s32 $0x0  }
0x5: {  	[smem:$0x7FF] =	sst s2  }
0x6: {  	s0 =	rddreg [dreg:$0x4];
	s18 =	stileid.u32;
	_ =	strace $0x80000047  }
0x7: {  	[tilespmem:s2], [sflag:$0x1] =	stream.linear.gather [hbm4b:s1+s2], $0x100, $0x38;
	[tilespmem:$0x4280] =	vst v63  }
0x8: {  	s6 =	simm.s32 $0x100;
	s20 =	simm.s32 $0x1;
	s19 =	sand.u32 $0x1, s18  }
0x9: {  	[tilespmem:s6], [sflag:$0x2] =	stream.linear.gather [hbm4b:s4+s2], $0x2, $0x38;
	[tilespmem:$0x4280] =	vst v63  }
0xa: {  	s4 =	sshll.u32 s19, $0x7;
	_ =	swait.ge [sflag:s20], $0x100  }
0xb: {  	v0 =	vmov s4;
	[sflag:s20] =	ssyncset.done $0x0  }
0xc: {  	s21 =	simm.s32 $0x2;
	[sflag:s20] =	ssyncadd.s32 $0xFFFFFF00  }
0xd: {  	_ =	swait.ge [sflag:s21], $0x2  }
0xe: {  	[sflag:s21] =	ssyncset.done $0x0  }
0xf: {  	[sflag:s21] =	ssyncadd.s32 $0xFFFFFFFE  }
0x10: {  	v1 =	vld.idx.msk [tilespmem:v0+s2+$0x0], $0xffff  }
0x11: {  	v2 =	vld [tilespmem:$0x100];
	_ =	sdelay $0x3  }
0x12: {  	(v2sf) =	vpush v1, $0x0  }
0x13: {  	(v2sf) =	vpush v2, $0x0;
	_ =	sdelay $0xd  }
0x14: {  	s7 =	sshll.u32 s18, $0x9;
	s8 =	spop (v2sf)  }
0x15: {  	s7 =	sand.u32 $0x1C00, s7;
	v0 =	vor.u32 $0x1, v0;
	s9 =	spop (v2sf)  }
0x16: {  	v0 =	vbroadcast v0, $0x0;
	s8 =	sadd.s32 s7, s8;
	s10 =	sshll.u32 s9, $0x3  }
0x17: {  	s8 =	sshll.u32 s8, $0xF;
	s10 =	sand.u32 $0x7FFFFC00, s10  }
0x18: {  	s8 =	sadd.s32 s8, s10  }
0x19: {  	s22 =	simm.s32 $0x400;
	s8 =	sshrl.u32 s8, $0x3  }
0x1a: {  	s11 =	simm.s32 $0x1000;
	s12 =	simm.s32 $0x180;
	s8 =	sadd.s32 s5, s8  }
0x1b: {  	[tilespmem:s12], [sflag:$0x1] =	stream.strided.gather [hbm4b:s8+s22], $0x2000, s11, s22, $0x38;
	[tilespmem:$0x4280] =	vst v63  }
0x1c: {  	v0 =	vld.idx.msk [tilespmem:v0+s2+$0x0], $0xffff  }
0x1d: {  	v54 =	vld [tilespmem:$0x101];
	_ =	sdelay $0x3  }
0x1e: {  	(v2sf) =	vpush v0, $0x0  }
0x1f: {  	(v2sf) =	vpush v54, $0x0;
	_ =	sdelay $0xd  }
0x20: {  	s23 =	spop (v2sf)  }
0x21: {  	s13 =	spop (v2sf)  }
0x22: {  	s7 =	sadd.s32 s7, s23;
	s24 =	sshll.u32 s13, $0x3  }
0x23: {  	v55 =	vlaneseq.u32;
	s7 =	sshll.u32 s7, $0xF;
	s8 =	sand.u32 $0x7FFFFC00, s24  }
0x24: {  	v0 =	vmul.u32 $0x80, v55;
	s7 =	sadd.s32 s7, s8  }
0x25: {  	s25 =	sand.u32 $0x7F, s9;
	s7 =	sshrl.u32 s7, $0x3  }
0x26: {  	s26 =	simm.s32 $0x2180;
	v56 =	vor.u32 s25, v0;
	s5 =	sadd.s32 s5, s7  }
0x27: {  	[tilespmem:s26], [sflag:$0x2] =	stream.strided.gather [hbm4b:s5+s22], $0x2000, s11, s22, $0x38;
	[tilespmem:$0x4280] =	vst v63  }
0x28: {  	_ =	swait.ge [sflag:s20], $0x2000  }
0x29: {  	[sflag:s20] =	ssyncset.done $0x0  }
0x2a: {  	[sflag:s20] =	ssyncadd.s32 $0xFFFFE000  }
0x2b: {  	v57 =	vor.u32 $0x800, v0;
	v1 =	vld.idx.msk [tilespmem:v56+s12+$0x0], $0xffff  }
0x2c: {  	v2 =	vor.u32 s25, v57;
	_ =	sdelay $0x3  }
0x2d: {  	[tilespmem:$0x4180] =	vst v1  }
0x2e: {  	v58 =	vor.u32 $0x1000, v0;
	v1 =	vld.idx.msk [tilespmem:v2+s12+$0x0], $0xffff  }
0x2f: {  	v2 =	vor.u32 s25, v58;
	_ =	sdelay $0x3  }
0x30: {  	[tilespmem:$0x4190] =	vst v1  }
0x31: {  	v59 =	vor.u32 $0x1800, v0;
	v1 =	vld.idx.msk [tilespmem:v2+s12+$0x0], $0xffff  }
0x32: {  	v2 =	vor.u32 s25, v59;
	_ =	sdelay $0x3  }
0x33: {  	[tilespmem:$0x41A0] =	vst v1  }
0x34: {  	v1 =	vld.idx.msk [tilespmem:v2+s12+$0x0], $0xffff;
	_ =	sdelay $0x2  }
0x35: {  	v60 =	vor.u32 $0x2000, v0;
	s28 =	sand.u32 $0x7F, s13  }
0x36: {  	v2 =	vor.u32 s28, v60  }
0x37: {  	[tilespmem:$0x41B0] =	vst v1  }
0x38: {  	_ =	swait.ge [sflag:s21], $0x2000  }
0x39: {  	[sflag:s21] =	ssyncset.done $0x0  }
0x3a: {  	[sflag:s21] =	ssyncadd.s32 $0xFFFFE000  }
0x3b: {  	v62 =	vor.u32 $0x2800, v0;
	v61 =	vld.idx.msk [tilespmem:v2+s12+$0x0], $0xffff  }
0x3c: {  	v2 =	vor.u32 s28, v62;
	_ =	sdelay $0x3  }
0x3d: {  	[tilespmem:$0x4200] =	vst v61  }
0x3e: {  	v63 =	vor.u32 $0x3000, v0;
	v1 =	vld.idx.msk [tilespmem:v2+s12+$0x0], $0xffff  }
0x3f: {  	v2 =	vor.u32 s28, v63;
	_ =	sdelay $0x3  }
0x40: {  	[tilespmem:$0x4210] =	vst v1  }
0x41: {  	v0 =	vor.u32 $0x3800, v0;
	v1 =	vld.idx.msk [tilespmem:v2+s12+$0x0], $0xffff  }
0x42: {  	v0 =	vor.u32 s28, v0;
	_ =	sdelay $0x3  }
0x43: {  	[tilespmem:$0x4220] =	vst v1  }
0x44: {  	v0 =	vld.idx.msk [tilespmem:v0+s12+$0x0], $0xffff;
	_ =	sdelay $0x3  }
0x45: {  	s29 =	sshll.u32 s18, $0x5  }
0x46: {  	s30 =	simm.s32 $0x4180;
	s31 =	simm.s32 $0x3;
	s3 =	sadd.s32 s3, s29;
	[tilespmem:$0x4230] =	vst v0  }
0x47: {  	[hbm4b:s3+s2] =	stream.linear.scatter [tilespmem:s30], [sflag:$0x3], $0x100, $0x38;
	[tilespmem:$0x4280] =	vst v63  }
0x48: {  	_ =	swait.ge [sflag:s31], $0x100  }
0x49: {  	[sflag:s31] =	ssyncset.done $0x0  }
0x4a: {  	[sflag:s31] =	ssyncadd.s32 $0xFFFFFF00  }
0x4b: {  	_ =	sfence.sel $0x180000  }
0x4c: {  	[bflag:$0x0] =	sbarrier.arrive $0xFFFF  }
0x4d: {  	p0 =	sne.s32 s18, $0x0;
	_ =	strace $0x90000047  }
0x4e: {  	s0 =	sadd.s32 @!p0 $0x100000, s0;
	[bflag:$0x2] =	sbarrier.arrive $0xFFFF  }
0x4f: {  	[sflag:s0] =	ssyncadd.tile.s32 @!p0 $0x1;
	_ =	shalt  }
.Lfunc_end2:
_tile_overlayer_lowered:
.L_overlay_start_2:
0x50: {  	(tag) =	ssettag $0x2  }
0x51: {  	s0 =	rddreg [dreg:$0x0];
	s2 =	stileid.u32  }
0x52: {  	s1 =	rddreg [dreg:$0x1];
	p0 =	sne.s32 s2, $0x0  }
0x53: {  	s3 =	rddreg [dreg:$0x2];
	[bflag:$0x3] =	sbarrier.arrive $0xFFFF;
	s2 =	simm.s32 @!p0 $0x1C03  }
0x54: {  	[timem:s3], [sflag:s2] =	dma.local @!p0 [hbm:s0], s1  }
0x55: {  	s0 =	simm.s32 @!p0 $0x3  }
0x56: {  	_ =	swait.ge @!p0 [sflag:s0], s1  }
0x57: {  	s1 =	ssub.s32 @!p0 $0x0, s1;
	[sflag:s0] =	ssyncset.done @!p0 $0x0  }
0x58: {  	[sflag:s0] =	ssyncadd.s32 @!p0 s1  }
0x59: {  	[bflag:$0x3] =	sbarrier.arrive $0xFFFF  }
0x5a: {  	_ =	shalt  }

</sc_bundles>
